<compile_context>
chip_gen: v7x
topology: tpu7x:2x2x1
jax: 0.10.2.dev20260603
libtpu: 0.0.44.dev20260713+nightly
codegen_flags: <defaults>
</compile_context>

<pallas_src>
import functools

import jax
import jax.numpy as jnp
import numpy as np
from jax import lax
from jax.experimental import pallas as pl
from jax.experimental.pallas import tpu as pltpu
from jax.experimental.pallas import tpu_sc as plsc

_TOKENSIZE = 64
_WINDOWSIZE = 512
_PERMUTATION_NUMBER = 15
_PARAM_SHAPES = {
    "w0": (1024, 512),
    "b0": (1024,),
    "w1": (1024, 1024),
    "b1": (1024,),
    "w2": (256, 1024),
    "b2": (256,),
}
_PARAM_NAMES = ["w0", "b0", "w1", "b1", "w2", "b2"]

_N_CKPT = _PERMUTATION_NUMBER + 1
_W2_ROWS, _W2_COLS = _PARAM_SHAPES["w2"]
_WIN_ELEMS = _WINDOWSIZE * _TOKENSIZE
_HALF_ELEMS = _WIN_ELEMS // 2
_NROWS = _HALF_ELEMS // _W2_COLS + 1

def _tf_raw(k1, k2, x0, x1):

    def rotl(x, d):
        return ((x << np.uint32(d)) | (x >> np.uint32(32 - d))).astype(np.uint32)

    ks = [np.uint32(k1), np.uint32(k2),
          np.uint32(k1) ^ np.uint32(k2) ^ np.uint32(0x1BD11BDA)]
    x0 = (x0 + ks[0]).astype(np.uint32)
    x1 = (x1 + ks[1]).astype(np.uint32)
    rot0, rot1 = (13, 15, 26, 6), (17, 29, 16, 24)
    sched = [(rot0, 1, 2, 1), (rot1, 2, 0, 2), (rot0, 0, 1, 3),
             (rot1, 1, 2, 4), (rot0, 2, 0, 5)]
    for rots, a, b, i in sched:
        for r in rots:
            x0 = (x0 + x1).astype(np.uint32)
            x1 = x0 ^ rotl(x1, r)
        x0 = (x0 + ks[a]).astype(np.uint32)
        x1 = (x1 + ks[b] + np.uint32(i)).astype(np.uint32)
    return x0, x1


def _tf_seed(s):
    s = np.uint64(s)
    return np.uint32(s >> np.uint64(32)), np.uint32(s & np.uint64(0xFFFFFFFF))


def _tf_fold_in(key, d):
    c = _tf_seed(d)
    a, b = _tf_raw(key[0], key[1], np.uint32([c[0]]), np.uint32([c[1]]))
    return (a[0], b[0])


def _tf_permutation(key, n):
    b1, b2 = _tf_raw(key[0], key[1], np.uint32([0, 0]), np.uint32([0, 1]))
    sub = (b1[1], b2[1])
    s1, s2 = _tf_raw(sub[0], sub[1], np.zeros(n, np.uint32),
                     np.arange(n, dtype=np.uint32))
    return np.argsort(s1 ^ s2, kind="stable").astype(np.int32)


_CONSTS = None


def _plan():
    global _CONSTS
    if _CONSTS is not None:
        return _CONSTS

    tok_counts = [
        -(-int(np.prod(_PARAM_SHAPES[n])) // _TOKENSIZE) for n in _PARAM_NAMES
    ]
    starts = np.concatenate([[0], np.cumsum(tok_counts)])
    max_len = int(starts[-1])
    windowsize = min(_WINDOWSIZE, max_len)
    idx_start = int(np.random.default_rng(7).integers(0, max_len - windowsize + 1))

    w2_i = _PARAM_NAMES.index("w2")
    w2_lo, w2_hi = int(starts[w2_i]), int(starts[w2_i + 1])
    assert w2_lo <= idx_start and idx_start + windowsize <= w2_hi
    win_e0 = (idx_start - w2_lo) * _TOKENSIZE

    assert 3 * np.log(_W2_COLS) <= np.log(2**32 - 1)
    perms = np.zeros((_N_CKPT, _W2_COLS), np.int32)
    perms[0] = np.arange(_W2_COLS, dtype=np.int32)
    for ndx in range(_PERMUTATION_NUMBER):
        k = _tf_fold_in(_tf_seed(42), ndx * 100 + 1)
        perms[ndx + 1] = _tf_permutation(k, _W2_COLS)

    mdx = np.ones((windowsize, _TOKENSIZE), np.float32)
    gtok = np.arange(idx_start, idx_start + windowsize)
    li = np.searchsorted(starts, gtok, side="right") - 1
    pos = np.stack(
        [li, gtok - starts[li], np.zeros_like(gtok)], axis=-1
    ).astype(np.int32)

    _CONSTS = (win_e0, perms, mdx, pos)
    return _CONSTS


_WIN_E0, _PERMS, _MDX, _POS = _plan()


def _make_gather_kernel(win_e0):
    row_lo = win_e0 // _W2_COLS
    rows_union = (win_e0 + _WIN_ELEMS - 1) // _W2_COLS - row_lo + 1
    row_al = (row_lo // 8) * 8
    rows_al = -(-(row_lo + rows_union - row_al) // 8) * 8
    trows = -(-(_NROWS + 7) // 8) * 8
    assert ((rows_al - _NROWS) // 8) * 8 + trows <= rows_al
    assert _HALF_ELEMS % _W2_COLS == 0
    skip = win_e0 % _W2_COLS
    assert skip > 0
    toks_half = _HALF_ELEMS // _TOKENSIZE
    assert _W2_COLS % _TOKENSIZE == 0 and skip % _TOKENSIZE == 0

    @functools.partial(
        pl.kernel,
        out_type=jax.ShapeDtypeStruct(
            (_N_CKPT, _WINDOWSIZE, _TOKENSIZE), jnp.float32
        ),
        mesh=plsc.VectorSubcoreMesh(core_axis_name="c", subcore_axis_name="s"),
        compiler_params=pltpu.CompilerParams(needs_layout_passes=False),
        scratch_types=[
            pltpu.VMEM_SHARED((rows_al, _W2_COLS), jnp.float32),
            pltpu.VMEM((trows, _W2_COLS), jnp.float32),
            pltpu.VMEM((_W2_COLS,), jnp.int32),
            pltpu.VMEM((toks_half, _TOKENSIZE), jnp.float32),
        ],
    )
    def _gather_kernel(w2_hbm, perms_hbm, out_hbm, shared, table_v, perm_v, out_v):
        ckpt = lax.axis_index("s")
        half = lax.axis_index("c")
        e0 = win_e0 + half * _HALF_ELEMS
        r_lo = e0 // _W2_COLS

        pltpu.sync_copy(perms_hbm.at[pl.ds(ckpt * _W2_COLS, _W2_COLS)], perm_v)

        @pl.when(ckpt == 0)
        def _stage():
            pltpu.sync_copy(w2_hbm.at[pl.ds(row_al, rows_al)], shared)

        plsc.subcore_barrier()
        dr = r_lo - row_al
        dr8 = pl.multiple_of((dr // 8) * 8, 8)
        pltpu.sync_copy(shared.at[pl.ds(dr8, trows)], table_v)

        off = dr - dr8
        row_splats = [jnp.full((16,), r, jnp.int32) + off for r in range(_NROWS)]
        tok_per_row = _W2_COLS // _TOKENSIZE

        @plsc.parallel_loop(0, _W2_COLS, 16, unroll=4)
        def _col_chunk(c):
            pvec = perm_v[pl.ds(c, 16)]
            vals = [
                plsc.load_gather(table_v, [row_splats[r], pvec])
                for r in range(_NROWS)
            ]
            bt = (c + _W2_COLS - skip) // _TOKENSIZE
            cc = lax.rem(c, _TOKENSIZE)

            @pl.when(c >= skip)
            def _first_row():
                out_v[bt - tok_per_row, pl.ds(cc, 16)] = vals[0]

            for r in range(1, _NROWS - 1):
                out_v[bt + (r - 1) * tok_per_row, pl.ds(cc, 16)] = vals[r]

            @pl.when(c < skip)
            def _last_row():
                out_v[bt + (_NROWS - 2) * tok_per_row, pl.ds(cc, 16)] = (
                    vals[_NROWS - 1]
                )

        pltpu.sync_copy(
            out_v, out_hbm.at[ckpt, pl.ds(half * toks_half, toks_half)]
        )

    return _gather_kernel


def kernel(w0, b0, w1, b1, w2, b2, props):
    ddx = _make_gather_kernel(_WIN_E0)(w2, jnp.asarray(_PERMS).reshape(-1))
    return (ddx, jnp.asarray(_MDX), jnp.asarray(_POS), props)

# --- scband reference (transcript-rebuilt; emitter-appended) ---
"""Pipeline reference for scband-checkpoint-augmentation-pipeline-82592221102765 (READ-ONLY COPY).

The authoritative reference and input builder live on the scoring server;
editing this copy changes nothing except your own understanding.
"""

import jax, jax.numpy as jnp
import numpy as np

TOKENSIZE = 64
PERMUTATION_NUMBER = 15
WINDOWSIZE = 512
# git-rebasin style permutation spec: perm name -> list of (param_name, axis)
PERM_SPEC = {"P_0": [("w0", 0), ("b0", 0), ("w1", 1)], "P_1": [("w1", 0), ("b1", 0), ("w2", 1)]}
PERM_SIZES = {"P_0": 1024, "P_1": 1024}
PARAM_NAMES = ["w0", "b0", "w1", "b1", "w2", "b2"]


def setup_inputs(seed: int = 0):
    key = jax.random.key(seed)
    ks = jax.random.split(key, 7)
    return {
        "w0": jax.random.normal(ks[0], (1024, 512), dtype=jnp.float32) * 0.02,
        "b0": jax.random.normal(ks[1], (1024,), dtype=jnp.float32) * 0.02,
        "w1": jax.random.normal(ks[2], (1024, 1024), dtype=jnp.float32) * 0.02,
        "b1": jax.random.normal(ks[3], (1024,), dtype=jnp.float32) * 0.02,
        "w2": jax.random.normal(ks[4], (256, 1024), dtype=jnp.float32) * 0.02,
        "b2": jax.random.normal(ks[5], (256,), dtype=jnp.float32) * 0.02,
        "props": jax.random.normal(ks[6], (1, 3), dtype=jnp.float32),
    }


def _make_perms(ndx):
    # stands in for torch.randperm per permutation group, deterministic keys
    perms = {}
    for pi, pname in enumerate(sorted(PERM_SIZES.keys())):
        k = jax.random.fold_in(jax.random.key(42), ndx * 100 + pi)
        perms[pname] = jax.random.permutation(k, PERM_SIZES[pname])
    return perms


def _apply_permutation(checkpoint, perms):
    out = dict(checkpoint)
    for pname, targets in PERM_SPEC.items():
        p = perms[pname]
        for (param, axis) in targets:
            out[param] = jnp.take(out[param], p, axis=axis)
    return out


def _tokenize(checkpoint):
    toks, masks, poss = [], [], []
    for li, name in enumerate(PARAM_NAMES):
        w = checkpoint[name].reshape(-1)
        n = w.shape[0]
        n_tok = -(-n // TOKENSIZE)
        pad = n_tok * TOKENSIZE - n
        toks.append(jnp.pad(w, (0, pad)).reshape(n_tok, TOKENSIZE))
        masks.append(jnp.pad(jnp.ones((n,), jnp.float32), (0, pad)).reshape(n_tok, TOKENSIZE))
        poss.append(jnp.stack([jnp.full((n_tok,), li, dtype=jnp.int32), jnp.arange(n_tok, dtype=jnp.int32), jnp.zeros((n_tok,), dtype=jnp.int32)], axis=-1))
    return jnp.concatenate(toks, 0), jnp.concatenate(masks, 0), jnp.concatenate(poss, 0)


def reference(w0, b0, w1, b1, w2, b2, props):
    checkpoint = {"w0": w0, "b0": b0, "w1": w1, "b1": b1, "w2": w2, "b2": b2}
    ckpts = [checkpoint]
    for ndx in range(PERMUTATION_NUMBER):
        ckpts.append(_apply_permutation(checkpoint, _make_perms(ndx)))
    tok = [_tokenize(c) for c in ckpts]
    ddx = jnp.stack([t[0] for t in tok], axis=0)
    mdx = tok[-1][1]
    p = tok[-1][2]
    max_len = ddx.shape[-2]
    windowsize = min(WINDOWSIZE, max_len)
    idx_start = int(np.random.default_rng(7).integers(0, max_len - windowsize + 1))
    idx = jnp.arange(idx_start, idx_start + windowsize)
    ddx = jnp.take(ddx, idx, axis=-2)
    mdx = jnp.take(mdx, idx, axis=-2)
    p = jnp.take(p, idx, axis=-2)
    return (ddx, mdx, p, props)

if __name__ == "__main__":
    import jax
    _d = setup_inputs()
    print(jax.jit(kernel)(*tuple(_d.values())))

</pallas_src>

<mosaic_0001>
#map = affine_map<(d0, d1) -> (0, 0)>
#map1 = affine_map<(d0, d1) -> (0)>
#map2 = affine_map<(d0, d1) -> (0, 0, 0)>
module attributes {stable_mosaic.version = 14 : i64} {
  func.func @_gather_kernel(%arg0: i32, %arg1: i32, %arg2: memref<256x1024xf32, #tpu.memory_space<hbm>>, %arg3: memref<16384xi32, #tpu.memory_space<hbm>>, %arg4: memref<16x512x64xf32, #tpu.memory_space<hbm>>, %arg5: memref<40x1024xf32, #tpu.memory_space<vmem_shared>>, %arg6: memref<24x1024xf32, #tpu.memory_space<vmem>>, %arg7: memref<1024xi32, #tpu.memory_space<vmem>>, %arg8: memref<256x64xf32, #tpu.memory_space<vmem>>) attributes {dimension_semantics = [#tpu.dimension_semantics<core_parallel>, #tpu.dimension_semantics<subcore_parallel>], iteration_bounds = array<i64: 2, 16>, scalar_prefetch = 0 : i64, scratch_operands = 4 : i64, tpu.core_type = #tpu.core_type<sc_vector_subcore>, window_params = [{transform_indices = #map}, {transform_indices = #map1}, {transform_indices = #map2}]} {
    %mul3A = arith.constant 16384 : i32
    %mul3A_0 = arith.muli %arg0, %mul3A : i32
    %add3A = arith.constant 130240 : i32
    %add3A_1 = arith.addi %add3A, %mul3A_0 : i32
    %jit3A = arith.constant 1024 : i32
    %div3A = arith.divsi %add3A_1, %jit3A : i32
    %sign3A = arith.constant 0 : i32
    %sign3A_2 = arith.cmpi sgt, %add3A_1, %sign3A : i32
    %sign3A_3 = arith.extui %sign3A_2 : i1 to i32
    %sign3A_4 = arith.constant 0 : i32
    %sign3A_5 = arith.cmpi slt, %add3A_1, %sign3A_4 : i32
    %sign3A_6 = arith.extui %sign3A_5 : i1 to i32
    %sign3A_7 = arith.subi %sign3A_3, %sign3A_6 : i32
    %sign3A_8 = arith.constant 0 : i32
    %sign3A_9 = arith.cmpi sgt, %jit3A, %sign3A_8 : i32
    %sign3A_10 = arith.extui %sign3A_9 : i1 to i32
    %sign3A_11 = arith.constant 0 : i32
    %sign3A_12 = arith.cmpi slt, %jit3A, %sign3A_11 : i32
    %sign3A_13 = arith.extui %sign3A_12 : i1 to i32
    %sign3A_14 = arith.subi %sign3A_10, %sign3A_13 : i32
    %ne3A = arith.cmpi ne, %sign3A_7, %sign3A_14 : i32
    %rem3A = arith.remsi %add3A_1, %jit3A : i32
    %ne3A_15 = arith.constant 0 : i32
    %ne3A_16 = arith.cmpi ne, %rem3A, %ne3A_15 : i32
    %and3A = arith.andi %ne3A, %ne3A_16 : i1
    %sub3A = arith.constant 1 : i32
    %sub3A_17 = arith.subi %div3A, %sub3A : i32
    %select_n3A = arith.select %and3A, %sub3A_17, %div3A : i32
    %mul3A_18 = arith.constant 1024 : i32
    %mul3A_19 = arith.muli %arg1, %mul3A_18 : i32
    "tpu.region"() ({
      %run_scoped3A = tpu.sem_alloc : memref<!tpu.dma_semaphore, #tpu.memory_space<semaphore_mem>>
      %dma_start3A = tpu.memref_slice %arg3[%mul3A_19] : memref<16384xi32, #tpu.memory_space<hbm>> -> memref<1024xi32, #tpu.memory_space<hbm>>
      %dma_start3A_122 = tpu.memref_slice %arg3[%mul3A_19] : memref<16384xi32, #tpu.memory_space<hbm>> -> memref<1024xi32, #tpu.memory_space<hbm>>
      tpu.enqueue_dma source(%dma_start3A_122 : memref<1024xi32, #tpu.memory_space<hbm>>) target(%arg7 : memref<1024xi32, #tpu.memory_space<vmem>>) target_semaphore(%run_scoped3A : memref<!tpu.dma_semaphore, #tpu.memory_space<semaphore_mem>>)
      %dma_wait3A = tpu.memref_slice %arg3[%mul3A_19] : memref<16384xi32, #tpu.memory_space<hbm>> -> memref<1024xi32, #tpu.memory_space<hbm>>
      %dma_wait3A_123 = tpu.memref_slice %arg3[%mul3A_19] : memref<16384xi32, #tpu.memory_space<hbm>> -> memref<1024xi32, #tpu.memory_space<hbm>>
      tpu.wait_dma2 semaphore(%run_scoped3A : memref<!tpu.dma_semaphore, #tpu.memory_space<semaphore_mem>>) src(%dma_wait3A_123 : memref<1024xi32, #tpu.memory_space<hbm>>) dst(%arg7 : memref<1024xi32, #tpu.memory_space<vmem>>)
      tpu.yield
    }) : () -> ()
    %eq3A = arith.constant 0 : i32
    %eq3A_20 = arith.cmpi eq, %arg1, %eq3A : i32
    %convert_element_type3A = arith.extui %eq3A_20 : i1 to i32
    %cond3A = arith.constant 0 : i32
    %cond3A_21 = arith.cmpi ne, %convert_element_type3A, %cond3A : i32
    scf.if %cond3A_21 {
      "tpu.region"() ({
        %run_scoped3A = tpu.sem_alloc : memref<!tpu.dma_semaphore, #tpu.memory_space<semaphore_mem>>
        %dma_start3A = arith.constant 120 : i32
        %dma_start3A_122 = arith.constant 0 : i32
        %dma_start3A_123 = tpu.memref_slice %arg2[%dma_start3A, %dma_start3A_122] : memref<256x1024xf32, #tpu.memory_space<hbm>> -> memref<40x1024xf32, #tpu.memory_space<hbm>>
        tpu.enqueue_dma source(%dma_start3A_123 : memref<40x1024xf32, #tpu.memory_space<hbm>>) target(%arg5 : memref<40x1024xf32, #tpu.memory_space<vmem_shared>>) target_semaphore(%run_scoped3A : memref<!tpu.dma_semaphore, #tpu.memory_space<semaphore_mem>>)
        %dma_wait3A = arith.constant 120 : i32
        %dma_wait3A_124 = arith.constant 0 : i32
        %dma_wait3A_125 = tpu.memref_slice %arg2[%dma_wait3A, %dma_wait3A_124] : memref<256x1024xf32, #tpu.memory_space<hbm>> -> memref<40x1024xf32, #tpu.memory_space<hbm>>
        tpu.wait_dma2 semaphore(%run_scoped3A : memref<!tpu.dma_semaphore, #tpu.memory_space<semaphore_mem>>) src(%dma_wait3A_125 : memref<40x1024xf32, #tpu.memory_space<hbm>>) dst(%arg5 : memref<40x1024xf32, #tpu.memory_space<vmem_shared>>)
        tpu.yield
      }) : () -> ()
    } else {
    }
    %barrier3A = arith.constant 0 : index
    tpu.barrier barrier_id(%barrier3A)
    %sub3A_22 = arith.constant 120 : i32
    %sub3A_23 = arith.subi %select_n3A, %sub3A_22 : i32
    %jit3A_24 = arith.constant 8 : i32
    %div3A_25 = arith.divsi %sub3A_23, %jit3A_24 : i32
    %sign3A_26 = arith.constant 0 : i32
    %sign3A_27 = arith.cmpi sgt, %sub3A_23, %sign3A_26 : i32
    %sign3A_28 = arith.extui %sign3A_27 : i1 to i32
    %sign3A_29 = arith.constant 0 : i32
    %sign3A_30 = arith.cmpi slt, %sub3A_23, %sign3A_29 : i32
    %sign3A_31 = arith.extui %sign3A_30 : i1 to i32
    %sign3A_32 = arith.subi %sign3A_28, %sign3A_31 : i32
    %sign3A_33 = arith.constant 0 : i32
    %sign3A_34 = arith.cmpi sgt, %jit3A_24, %sign3A_33 : i32
    %sign3A_35 = arith.extui %sign3A_34 : i1 to i32
    %sign3A_36 = arith.constant 0 : i32
    %sign3A_37 = arith.cmpi slt, %jit3A_24, %sign3A_36 : i32
    %sign3A_38 = arith.extui %sign3A_37 : i1 to i32
    %sign3A_39 = arith.subi %sign3A_35, %sign3A_38 : i32
    %ne3A_40 = arith.cmpi ne, %sign3A_32, %sign3A_39 : i32
    %rem3A_41 = arith.remsi %sub3A_23, %jit3A_24 : i32
    %ne3A_42 = arith.constant 0 : i32
    %ne3A_43 = arith.cmpi ne, %rem3A_41, %ne3A_42 : i32
    %and3A_44 = arith.andi %ne3A_40, %ne3A_43 : i1
    %sub3A_45 = arith.constant 1 : i32
    %sub3A_46 = arith.subi %div3A_25, %sub3A_45 : i32
    %select_n3A_47 = arith.select %and3A_44, %sub3A_46, %div3A_25 : i32
    %mul3A_48 = arith.constant 8 : i32
    %mul3A_49 = arith.muli %select_n3A_47, %mul3A_48 : i32
    %multiple_of3A = tpu.assume_multiple %mul3A_49, 8 : i32
    "tpu.region"() ({
      %run_scoped3A = tpu.sem_alloc : memref<!tpu.dma_semaphore, #tpu.memory_space<semaphore_mem>>
      %dma_start3A = arith.constant 0 : i32
      %dma_start3A_122 = tpu.memref_slice %arg5[%multiple_of3A, %dma_start3A] : memref<40x1024xf32, #tpu.memory_space<vmem_shared>> -> memref<24x1024xf32, #tpu.memory_space<vmem_shared>>
      %dma_start3A_123 = arith.constant 0 : i32
      %dma_start3A_124 = tpu.memref_slice %arg5[%multiple_of3A, %dma_start3A_123] : memref<40x1024xf32, #tpu.memory_space<vmem_shared>> -> memref<24x1024xf32, #tpu.memory_space<vmem_shared>>
      tpu.enqueue_dma source(%dma_start3A_124 : memref<24x1024xf32, #tpu.memory_space<vmem_shared>>) target(%arg6 : memref<24x1024xf32, #tpu.memory_space<vmem>>) target_semaphore(%run_scoped3A : memref<!tpu.dma_semaphore, #tpu.memory_space<semaphore_mem>>)
      %dma_wait3A = arith.constant 0 : i32
      %dma_wait3A_125 = tpu.memref_slice %arg5[%multiple_of3A, %dma_wait3A] : memref<40x1024xf32, #tpu.memory_space<vmem_shared>> -> memref<24x1024xf32, #tpu.memory_space<vmem_shared>>
      %dma_wait3A_126 = arith.constant 0 : i32
      %dma_wait3A_127 = tpu.memref_slice %arg5[%multiple_of3A, %dma_wait3A_126] : memref<40x1024xf32, #tpu.memory_space<vmem_shared>> -> memref<24x1024xf32, #tpu.memory_space<vmem_shared>>
      tpu.wait_dma2 semaphore(%run_scoped3A : memref<!tpu.dma_semaphore, #tpu.memory_space<semaphore_mem>>) src(%dma_wait3A_127 : memref<24x1024xf32, #tpu.memory_space<vmem_shared>>) dst(%arg6 : memref<24x1024xf32, #tpu.memory_space<vmem>>)
      tpu.yield
    }) : () -> ()
    %sub3A_50 = arith.subi %sub3A_23, %multiple_of3A : i32
    %broadcast_in_dim3A = arith.constant 0 : i32
    %broadcast_in_dim3A_51 = vector.broadcast %broadcast_in_dim3A : i32 to vector<16xi32>
    %add3A_52 = vector.broadcast %sub3A_50 : i32 to vector<16xi32>
    %add3A_53 = arith.addi %broadcast_in_dim3A_51, %add3A_52 : vector<16xi32>
    %broadcast_in_dim3A_54 = arith.constant 1 : i32
    %broadcast_in_dim3A_55 = vector.broadcast %broadcast_in_dim3A_54 : i32 to vector<16xi32>
    %add3A_56 = vector.broadcast %sub3A_50 : i32 to vector<16xi32>
    %add3A_57 = arith.addi %broadcast_in_dim3A_55, %add3A_56 : vector<16xi32>
    %broadcast_in_dim3A_58 = arith.constant 2 : i32
    %broadcast_in_dim3A_59 = vector.broadcast %broadcast_in_dim3A_58 : i32 to vector<16xi32>
    %add3A_60 = vector.broadcast %sub3A_50 : i32 to vector<16xi32>
    %add3A_61 = arith.addi %broadcast_in_dim3A_59, %add3A_60 : vector<16xi32>
    %broadcast_in_dim3A_62 = arith.constant 3 : i32
    %broadcast_in_dim3A_63 = vector.broadcast %broadcast_in_dim3A_62 : i32 to vector<16xi32>
    %add3A_64 = vector.broadcast %sub3A_50 : i32 to vector<16xi32>
    %add3A_65 = arith.addi %broadcast_in_dim3A_63, %add3A_64 : vector<16xi32>
    %broadcast_in_dim3A_66 = arith.constant 4 : i32
    %broadcast_in_dim3A_67 = vector.broadcast %broadcast_in_dim3A_66 : i32 to vector<16xi32>
    %add3A_68 = vector.broadcast %sub3A_50 : i32 to vector<16xi32>
    %add3A_69 = arith.addi %broadcast_in_dim3A_67, %add3A_68 : vector<16xi32>
    %broadcast_in_dim3A_70 = arith.constant 5 : i32
    %broadcast_in_dim3A_71 = vector.broadcast %broadcast_in_dim3A_70 : i32 to vector<16xi32>
    %add3A_72 = vector.broadcast %sub3A_50 : i32 to vector<16xi32>
    %add3A_73 = arith.addi %broadcast_in_dim3A_71, %add3A_72 : vector<16xi32>
    %broadcast_in_dim3A_74 = arith.constant 6 : i32
    %broadcast_in_dim3A_75 = vector.broadcast %broadcast_in_dim3A_74 : i32 to vector<16xi32>
    %add3A_76 = vector.broadcast %sub3A_50 : i32 to vector<16xi32>
    %add3A_77 = arith.addi %broadcast_in_dim3A_75, %add3A_76 : vector<16xi32>
    %broadcast_in_dim3A_78 = arith.constant 7 : i32
    %broadcast_in_dim3A_79 = vector.broadcast %broadcast_in_dim3A_78 : i32 to vector<16xi32>
    %add3A_80 = vector.broadcast %sub3A_50 : i32 to vector<16xi32>
    %add3A_81 = arith.addi %broadcast_in_dim3A_79, %add3A_80 : vector<16xi32>
    %broadcast_in_dim3A_82 = arith.constant 8 : i32
    %broadcast_in_dim3A_83 = vector.broadcast %broadcast_in_dim3A_82 : i32 to vector<16xi32>
    %add3A_84 = vector.broadcast %sub3A_50 : i32 to vector<16xi32>
    %add3A_85 = arith.addi %broadcast_in_dim3A_83, %add3A_84 : vector<16xi32>
    %broadcast_in_dim3A_86 = arith.constant 9 : i32
    %broadcast_in_dim3A_87 = vector.broadcast %broadcast_in_dim3A_86 : i32 to vector<16xi32>
    %add3A_88 = vector.broadcast %sub3A_50 : i32 to vector<16xi32>
    %add3A_89 = arith.addi %broadcast_in_dim3A_87, %add3A_88 : vector<16xi32>
    %broadcast_in_dim3A_90 = arith.constant 10 : i32
    %broadcast_in_dim3A_91 = vector.broadcast %broadcast_in_dim3A_90 : i32 to vector<16xi32>
    %add3A_92 = vector.broadcast %sub3A_50 : i32 to vector<16xi32>
    %add3A_93 = arith.addi %broadcast_in_dim3A_91, %add3A_92 : vector<16xi32>
    %broadcast_in_dim3A_94 = arith.constant 11 : i32
    %broadcast_in_dim3A_95 = vector.broadcast %broadcast_in_dim3A_94 : i32 to vector<16xi32>
    %add3A_96 = vector.broadcast %sub3A_50 : i32 to vector<16xi32>
    %add3A_97 = arith.addi %broadcast_in_dim3A_95, %add3A_96 : vector<16xi32>
    %broadcast_in_dim3A_98 = arith.constant 12 : i32
    %broadcast_in_dim3A_99 = vector.broadcast %broadcast_in_dim3A_98 : i32 to vector<16xi32>
    %add3A_100 = vector.broadcast %sub3A_50 : i32 to vector<16xi32>
    %add3A_101 = arith.addi %broadcast_in_dim3A_99, %add3A_100 : vector<16xi32>
    %broadcast_in_dim3A_102 = arith.constant 13 : i32
    %broadcast_in_dim3A_103 = vector.broadcast %broadcast_in_dim3A_102 : i32 to vector<16xi32>
    %add3A_104 = vector.broadcast %sub3A_50 : i32 to vector<16xi32>
    %add3A_105 = arith.addi %broadcast_in_dim3A_103, %add3A_104 : vector<16xi32>
    %broadcast_in_dim3A_106 = arith.constant 14 : i32
    %broadcast_in_dim3A_107 = vector.broadcast %broadcast_in_dim3A_106 : i32 to vector<16xi32>
    %add3A_108 = vector.broadcast %sub3A_50 : i32 to vector<16xi32>
    %add3A_109 = arith.addi %broadcast_in_dim3A_107, %add3A_108 : vector<16xi32>
    %broadcast_in_dim3A_110 = arith.constant 15 : i32
    %broadcast_in_dim3A_111 = vector.broadcast %broadcast_in_dim3A_110 : i32 to vector<16xi32>
    %add3A_112 = vector.broadcast %sub3A_50 : i32 to vector<16xi32>
    %add3A_113 = arith.addi %broadcast_in_dim3A_111, %add3A_112 : vector<16xi32>
    %broadcast_in_dim3A_114 = arith.constant 16 : i32
    %broadcast_in_dim3A_115 = vector.broadcast %broadcast_in_dim3A_114 : i32 to vector<16xi32>
    %add3A_116 = vector.broadcast %sub3A_50 : i32 to vector<16xi32>
    %add3A_117 = arith.addi %broadcast_in_dim3A_115, %add3A_116 : vector<16xi32>
    %parallel_loop3A = arith.constant 0 : i32
    %parallel_loop3A_118 = arith.constant 1024 : i32
    %parallel_loop3A_119 = arith.constant 16 : i32
    scf.for %parallel_loop3A_122 = %parallel_loop3A to %parallel_loop3A_118 step %parallel_loop3A_119  : i32 {
      %parallel_loop3A_123 = arith.index_cast %parallel_loop3A_122 : i32 to index
      %parallel_loop3A_124 = tpu.vector_load %arg7[%parallel_loop3A_123] {strides = array<i32>} : memref<1024xi32, #tpu.memory_space<vmem>>, vector<16xi32>,
      %parallel_loop3A_125 = tpu.vector_load_idx %arg6[%add3A_53, %parallel_loop3A_124] : memref<24x1024xf32, #tpu.memory_space<vmem>>[vector<16xi32>, vector<16xi32>], vector<16xf32>,
      %parallel_loop3A_126 = tpu.vector_load_idx %arg6[%add3A_57, %parallel_loop3A_124] : memref<24x1024xf32, #tpu.memory_space<vmem>>[vector<16xi32>, vector<16xi32>], vector<16xf32>,
      %parallel_loop3A_127 = tpu.vector_load_idx %arg6[%add3A_61, %parallel_loop3A_124] : memref<24x1024xf32, #tpu.memory_space<vmem>>[vector<16xi32>, vector<16xi32>], vector<16xf32>,
      %parallel_loop3A_128 = tpu.vector_load_idx %arg6[%add3A_65, %parallel_loop3A_124] : memref<24x1024xf32, #tpu.memory_space<vmem>>[vector<16xi32>, vector<16xi32>], vector<16xf32>,
      %parallel_loop3A_129 = tpu.vector_load_idx %arg6[%add3A_69, %parallel_loop3A_124] : memref<24x1024xf32, #tpu.memory_space<vmem>>[vector<16xi32>, vector<16xi32>], vector<16xf32>,
      %parallel_loop3A_130 = tpu.vector_load_idx %arg6[%add3A_73, %parallel_loop3A_124] : memref<24x1024xf32, #tpu.memory_space<vmem>>[vector<16xi32>, vector<16xi32>], vector<16xf32>,
      %parallel_loop3A_131 = tpu.vector_load_idx %arg6[%add3A_77, %parallel_loop3A_124] : memref<24x1024xf32, #tpu.memory_space<vmem>>[vector<16xi32>, vector<16xi32>], vector<16xf32>,
      %parallel_loop3A_132 = tpu.vector_load_idx %arg6[%add3A_81, %parallel_loop3A_124] : memref<24x1024xf32, #tpu.memory_space<vmem>>[vector<16xi32>, vector<16xi32>], vector<16xf32>,
      %parallel_loop3A_133 = tpu.vector_load_idx %arg6[%add3A_85, %parallel_loop3A_124] : memref<24x1024xf32, #tpu.memory_space<vmem>>[vector<16xi32>, vector<16xi32>], vector<16xf32>,
      %parallel_loop3A_134 = tpu.vector_load_idx %arg6[%add3A_89, %parallel_loop3A_124] : memref<24x1024xf32, #tpu.memory_space<vmem>>[vector<16xi32>, vector<16xi32>], vector<16xf32>,
      %parallel_loop3A_135 = tpu.vector_load_idx %arg6[%add3A_93, %parallel_loop3A_124] : memref<24x1024xf32, #tpu.memory_space<vmem>>[vector<16xi32>, vector<16xi32>], vector<16xf32>,
      %parallel_loop3A_136 = tpu.vector_load_idx %arg6[%add3A_97, %parallel_loop3A_124] : memref<24x1024xf32, #tpu.memory_space<vmem>>[vector<16xi32>, vector<16xi32>], vector<16xf32>,
      %parallel_loop3A_137 = tpu.vector_load_idx %arg6[%add3A_101, %parallel_loop3A_124] : memref<24x1024xf32, #tpu.memory_space<vmem>>[vector<16xi32>, vector<16xi32>], vector<16xf32>,
      %parallel_loop3A_138 = tpu.vector_load_idx %arg6[%add3A_105, %parallel_loop3A_124] : memref<24x1024xf32, #tpu.memory_space<vmem>>[vector<16xi32>, vector<16xi32>], vector<16xf32>,
      %parallel_loop3A_139 = tpu.vector_load_idx %arg6[%add3A_109, %parallel_loop3A_124] : memref<24x1024xf32, #tpu.memory_space<vmem>>[vector<16xi32>, vector<16xi32>], vector<16xf32>,
      %parallel_loop3A_140 = tpu.vector_load_idx %arg6[%add3A_113, %parallel_loop3A_124] : memref<24x1024xf32, #tpu.memory_space<vmem>>[vector<16xi32>, vector<16xi32>], vector<16xf32>,
      %parallel_loop3A_141 = tpu.vector_load_idx %arg6[%add3A_117, %parallel_loop3A_124] : memref<24x1024xf32, #tpu.memory_space<vmem>>[vector<16xi32>, vector<16xi32>], vector<16xf32>,
      %parallel_loop3A_142 = arith.constant 1024 : i32
      %parallel_loop3A_143 = arith.addi %parallel_loop3A_122, %parallel_loop3A_142 : i32
      %parallel_loop3A_144 = arith.constant 192 : i32
      %parallel_loop3A_145 = arith.subi %parallel_loop3A_143, %parallel_loop3A_144 : i32
      %parallel_loop3A_146 = arith.constant 64 : i32
      %parallel_loop3A_147 = arith.divsi %parallel_loop3A_145, %parallel_loop3A_146 : i32
      %parallel_loop3A_148 = arith.constant 0 : i32
      %parallel_loop3A_149 = arith.cmpi sgt, %parallel_loop3A_145, %parallel_loop3A_148 : i32
      %parallel_loop3A_150 = arith.extui %parallel_loop3A_149 : i1 to i32
      %parallel_loop3A_151 = arith.constant 0 : i32
      %parallel_loop3A_152 = arith.cmpi slt, %parallel_loop3A_145, %parallel_loop3A_151 : i32
      %parallel_loop3A_153 = arith.extui %parallel_loop3A_152 : i1 to i32
      %parallel_loop3A_154 = arith.subi %parallel_loop3A_150, %parallel_loop3A_153 : i32
      %parallel_loop3A_155 = arith.constant 0 : i32
      %parallel_loop3A_156 = arith.cmpi sgt, %parallel_loop3A_146, %parallel_loop3A_155 : i32
      %parallel_loop3A_157 = arith.extui %parallel_loop3A_156 : i1 to i32
      %parallel_loop3A_158 = arith.constant 0 : i32
      %parallel_loop3A_159 = arith.cmpi slt, %parallel_loop3A_146, %parallel_loop3A_158 : i32
      %parallel_loop3A_160 = arith.extui %parallel_loop3A_159 : i1 to i32
      %parallel_loop3A_161 = arith.subi %parallel_loop3A_157, %parallel_loop3A_160 : i32
      %parallel_loop3A_162 = arith.cmpi ne, %parallel_loop3A_154, %parallel_loop3A_161 : i32
      %parallel_loop3A_163 = arith.remsi %parallel_loop3A_145, %parallel_loop3A_146 : i32
      %parallel_loop3A_164 = arith.constant 0 : i32
      %parallel_loop3A_165 = arith.cmpi ne, %parallel_loop3A_163, %parallel_loop3A_164 : i32
      %parallel_loop3A_166 = arith.andi %parallel_loop3A_162, %parallel_loop3A_165 : i1
      %parallel_loop3A_167 = arith.constant 1 : i32
      %parallel_loop3A_168 = arith.subi %parallel_loop3A_147, %parallel_loop3A_167 : i32
      %parallel_loop3A_169 = arith.select %parallel_loop3A_166, %parallel_loop3A_168, %parallel_loop3A_147 : i32
      %parallel_loop3A_170 = arith.constant 64 : i32
      %parallel_loop3A_171 = arith.remsi %parallel_loop3A_122, %parallel_loop3A_170 : i32
      %parallel_loop3A_172 = arith.constant 192 : i32
      %parallel_loop3A_173 = arith.cmpi sge, %parallel_loop3A_122, %parallel_loop3A_172 : i32
      %parallel_loop3A_174 = arith.extui %parallel_loop3A_173 : i1 to i32
      %parallel_loop3A_175 = arith.constant 0 : i32
      %parallel_loop3A_176 = arith.cmpi ne, %parallel_loop3A_174, %parallel_loop3A_175 : i32
      scf.if %parallel_loop3A_176 {
        %parallel_loop3A_257 = arith.constant 16 : i32
        %parallel_loop3A_258 = arith.subi %parallel_loop3A_169, %parallel_loop3A_257 : i32
        %parallel_loop3A_259 = arith.index_cast %parallel_loop3A_258 : i32 to index
        %parallel_loop3A_260 = arith.index_cast %parallel_loop3A_171 : i32 to index
        %parallel_loop3A_261 = tpu.vector_load %arg8[%parallel_loop3A_259, %parallel_loop3A_260] {strides = array<i32>} : memref<256x64xf32, #tpu.memory_space<vmem>>, vector<16xf32>,
        tpu.vector_store %arg8[%parallel_loop3A_259, %parallel_loop3A_260], %parallel_loop3A_125 {strides = array<i32>} : memref<256x64xf32, #tpu.memory_space<vmem>>, vector<16xf32>,
      } else {
      }
      %parallel_loop3A_177 = arith.constant 0 : i32
      %parallel_loop3A_178 = arith.addi %parallel_loop3A_169, %parallel_loop3A_177 : i32
      %parallel_loop3A_179 = arith.index_cast %parallel_loop3A_178 : i32 to index
      %parallel_loop3A_180 = arith.index_cast %parallel_loop3A_171 : i32 to index
      %parallel_loop3A_181 = tpu.vector_load %arg8[%parallel_loop3A_179, %parallel_loop3A_180] {strides = array<i32>} : memref<256x64xf32, #tpu.memory_space<vmem>>, vector<16xf32>,
      tpu.vector_store %arg8[%parallel_loop3A_179, %parallel_loop3A_180], %parallel_loop3A_126 {strides = array<i32>} : memref<256x64xf32, #tpu.memory_space<vmem>>, vector<16xf32>,
      %parallel_loop3A_182 = arith.constant 16 : i32
      %parallel_loop3A_183 = arith.addi %parallel_loop3A_169, %parallel_loop3A_182 : i32
      %parallel_loop3A_184 = arith.index_cast %parallel_loop3A_183 : i32 to index
      %parallel_loop3A_185 = arith.index_cast %parallel_loop3A_171 : i32 to index
      %parallel_loop3A_186 = tpu.vector_load %arg8[%parallel_loop3A_184, %parallel_loop3A_185] {strides = array<i32>} : memref<256x64xf32, #tpu.memory_space<vmem>>, vector<16xf32>,
      tpu.vector_store %arg8[%parallel_loop3A_184, %parallel_loop3A_185], %parallel_loop3A_127 {strides = array<i32>} : memref<256x64xf32, #tpu.memory_space<vmem>>, vector<16xf32>,
      %parallel_loop3A_187 = arith.constant 32 : i32
      %parallel_loop3A_188 = arith.addi %parallel_loop3A_169, %parallel_loop3A_187 : i32
      %parallel_loop3A_189 = arith.index_cast %parallel_loop3A_188 : i32 to index
      %parallel_loop3A_190 = arith.index_cast %parallel_loop3A_171 : i32 to index
      %parallel_loop3A_191 = tpu.vector_load %arg8[%parallel_loop3A_189, %parallel_loop3A_190] {strides = array<i32>} : memref<256x64xf32, #tpu.memory_space<vmem>>, vector<16xf32>,
      tpu.vector_store %arg8[%parallel_loop3A_189, %parallel_loop3A_190], %parallel_loop3A_128 {strides = array<i32>} : memref<256x64xf32, #tpu.memory_space<vmem>>, vector<16xf32>,
      %parallel_loop3A_192 = arith.constant 48 : i32
      %parallel_loop3A_193 = arith.addi %parallel_loop3A_169, %parallel_loop3A_192 : i32
      %parallel_loop3A_194 = arith.index_cast %parallel_loop3A_193 : i32 to index
      %parallel_loop3A_195 = arith.index_cast %parallel_loop3A_171 : i32 to index
      %parallel_loop3A_196 = tpu.vector_load %arg8[%parallel_loop3A_194, %parallel_loop3A_195] {strides = array<i32>} : memref<256x64xf32, #tpu.memory_space<vmem>>, vector<16xf32>,
      tpu.vector_store %arg8[%parallel_loop3A_194, %parallel_loop3A_195], %parallel_loop3A_129 {strides = array<i32>} : memref<256x64xf32, #tpu.memory_space<vmem>>, vector<16xf32>,
      %parallel_loop3A_197 = arith.constant 64 : i32
      %parallel_loop3A_198 = arith.addi %parallel_loop3A_169, %parallel_loop3A_197 : i32
      %parallel_loop3A_199 = arith.index_cast %parallel_loop3A_198 : i32 to index
      %parallel_loop3A_200 = arith.index_cast %parallel_loop3A_171 : i32 to index
      %parallel_loop3A_201 = tpu.vector_load %arg8[%parallel_loop3A_199, %parallel_loop3A_200] {strides = array<i32>} : memref<256x64xf32, #tpu.memory_space<vmem>>, vector<16xf32>,
      tpu.vector_store %arg8[%parallel_loop3A_199, %parallel_loop3A_200], %parallel_loop3A_130 {strides = array<i32>} : memref<256x64xf32, #tpu.memory_space<vmem>>, vector<16xf32>,
      %parallel_loop3A_202 = arith.constant 80 : i32
      %parallel_loop3A_203 = arith.addi %parallel_loop3A_169, %parallel_loop3A_202 : i32
      %parallel_loop3A_204 = arith.index_cast %parallel_loop3A_203 : i32 to index
      %parallel_loop3A_205 = arith.index_cast %parallel_loop3A_171 : i32 to index
      %parallel_loop3A_206 = tpu.vector_load %arg8[%parallel_loop3A_204, %parallel_loop3A_205] {strides = array<i32>} : memref<256x64xf32, #tpu.memory_space<vmem>>, vector<16xf32>,
      tpu.vector_store %arg8[%parallel_loop3A_204, %parallel_loop3A_205], %parallel_loop3A_131 {strides = array<i32>} : memref<256x64xf32, #tpu.memory_space<vmem>>, vector<16xf32>,
      %parallel_loop3A_207 = arith.constant 96 : i32
      %parallel_loop3A_208 = arith.addi %parallel_loop3A_169, %parallel_loop3A_207 : i32
      %parallel_loop3A_209 = arith.index_cast %parallel_loop3A_208 : i32 to index
      %parallel_loop3A_210 = arith.index_cast %parallel_loop3A_171 : i32 to index
      %parallel_loop3A_211 = tpu.vector_load %arg8[%parallel_loop3A_209, %parallel_loop3A_210] {strides = array<i32>} : memref<256x64xf32, #tpu.memory_space<vmem>>, vector<16xf32>,
      tpu.vector_store %arg8[%parallel_loop3A_209, %parallel_loop3A_210], %parallel_loop3A_132 {strides = array<i32>} : memref<256x64xf32, #tpu.memory_space<vmem>>, vector<16xf32>,
      %parallel_loop3A_212 = arith.constant 112 : i32
      %parallel_loop3A_213 = arith.addi %parallel_loop3A_169, %parallel_loop3A_212 : i32
      %parallel_loop3A_214 = arith.index_cast %parallel_loop3A_213 : i32 to index
      %parallel_loop3A_215 = arith.index_cast %parallel_loop3A_171 : i32 to index
      %parallel_loop3A_216 = tpu.vector_load %arg8[%parallel_loop3A_214, %parallel_loop3A_215] {strides = array<i32>} : memref<256x64xf32, #tpu.memory_space<vmem>>, vector<16xf32>,
      tpu.vector_store %arg8[%parallel_loop3A_214, %parallel_loop3A_215], %parallel_loop3A_133 {strides = array<i32>} : memref<256x64xf32, #tpu.memory_space<vmem>>, vector<16xf32>,
      %parallel_loop3A_217 = arith.constant 128 : i32
      %parallel_loop3A_218 = arith.addi %parallel_loop3A_169, %parallel_loop3A_217 : i32
      %parallel_loop3A_219 = arith.index_cast %parallel_loop3A_218 : i32 to index
      %parallel_loop3A_220 = arith.index_cast %parallel_loop3A_171 : i32 to index
      %parallel_loop3A_221 = tpu.vector_load %arg8[%parallel_loop3A_219, %parallel_loop3A_220] {strides = array<i32>} : memref<256x64xf32, #tpu.memory_space<vmem>>, vector<16xf32>,
      tpu.vector_store %arg8[%parallel_loop3A_219, %parallel_loop3A_220], %parallel_loop3A_134 {strides = array<i32>} : memref<256x64xf32, #tpu.memory_space<vmem>>, vector<16xf32>,
      %parallel_loop3A_222 = arith.constant 144 : i32
      %parallel_loop3A_223 = arith.addi %parallel_loop3A_169, %parallel_loop3A_222 : i32
      %parallel_loop3A_224 = arith.index_cast %parallel_loop3A_223 : i32 to index
      %parallel_loop3A_225 = arith.index_cast %parallel_loop3A_171 : i32 to index
      %parallel_loop3A_226 = tpu.vector_load %arg8[%parallel_loop3A_224, %parallel_loop3A_225] {strides = array<i32>} : memref<256x64xf32, #tpu.memory_space<vmem>>, vector<16xf32>,
      tpu.vector_store %arg8[%parallel_loop3A_224, %parallel_loop3A_225], %parallel_loop3A_135 {strides = array<i32>} : memref<256x64xf32, #tpu.memory_space<vmem>>, vector<16xf32>,
      %parallel_loop3A_227 = arith.constant 160 : i32
      %parallel_loop3A_228 = arith.addi %parallel_loop3A_169, %parallel_loop3A_227 : i32
      %parallel_loop3A_229 = arith.index_cast %parallel_loop3A_228 : i32 to index
      %parallel_loop3A_230 = arith.index_cast %parallel_loop3A_171 : i32 to index
      %parallel_loop3A_231 = tpu.vector_load %arg8[%parallel_loop3A_229, %parallel_loop3A_230] {strides = array<i32>} : memref<256x64xf32, #tpu.memory_space<vmem>>, vector<16xf32>,
      tpu.vector_store %arg8[%parallel_loop3A_229, %parallel_loop3A_230], %parallel_loop3A_136 {strides = array<i32>} : memref<256x64xf32, #tpu.memory_space<vmem>>, vector<16xf32>,
      %parallel_loop3A_232 = arith.constant 176 : i32
      %parallel_loop3A_233 = arith.addi %parallel_loop3A_169, %parallel_loop3A_232 : i32
      %parallel_loop3A_234 = arith.index_cast %parallel_loop3A_233 : i32 to index
      %parallel_loop3A_235 = arith.index_cast %parallel_loop3A_171 : i32 to index
      %parallel_loop3A_236 = tpu.vector_load %arg8[%parallel_loop3A_234, %parallel_loop3A_235] {strides = array<i32>} : memref<256x64xf32, #tpu.memory_space<vmem>>, vector<16xf32>,
      tpu.vector_store %arg8[%parallel_loop3A_234, %parallel_loop3A_235], %parallel_loop3A_137 {strides = array<i32>} : memref<256x64xf32, #tpu.memory_space<vmem>>, vector<16xf32>,
      %parallel_loop3A_237 = arith.constant 192 : i32
      %parallel_loop3A_238 = arith.addi %parallel_loop3A_169, %parallel_loop3A_237 : i32
      %parallel_loop3A_239 = arith.index_cast %parallel_loop3A_238 : i32 to index
      %parallel_loop3A_240 = arith.index_cast %parallel_loop3A_171 : i32 to index
      %parallel_loop3A_241 = tpu.vector_load %arg8[%parallel_loop3A_239, %parallel_loop3A_240] {strides = array<i32>} : memref<256x64xf32, #tpu.memory_space<vmem>>, vector<16xf32>,
      tpu.vector_store %arg8[%parallel_loop3A_239, %parallel_loop3A_240], %parallel_loop3A_138 {strides = array<i32>} : memref<256x64xf32, #tpu.memory_space<vmem>>, vector<16xf32>,
      %parallel_loop3A_242 = arith.constant 208 : i32
      %parallel_loop3A_243 = arith.addi %parallel_loop3A_169, %parallel_loop3A_242 : i32
      %parallel_loop3A_244 = arith.index_cast %parallel_loop3A_243 : i32 to index
      %parallel_loop3A_245 = arith.index_cast %parallel_loop3A_171 : i32 to index
      %parallel_loop3A_246 = tpu.vector_load %arg8[%parallel_loop3A_244, %parallel_loop3A_245] {strides = array<i32>} : memref<256x64xf32, #tpu.memory_space<vmem>>, vector<16xf32>,
      tpu.vector_store %arg8[%parallel_loop3A_244, %parallel_loop3A_245], %parallel_loop3A_139 {strides = array<i32>} : memref<256x64xf32, #tpu.memory_space<vmem>>, vector<16xf32>,
      %parallel_loop3A_247 = arith.constant 224 : i32
      %parallel_loop3A_248 = arith.addi %parallel_loop3A_169, %parallel_loop3A_247 : i32
      %parallel_loop3A_249 = arith.index_cast %parallel_loop3A_248 : i32 to index
      %parallel_loop3A_250 = arith.index_cast %parallel_loop3A_171 : i32 to index
      %parallel_loop3A_251 = tpu.vector_load %arg8[%parallel_loop3A_249, %parallel_loop3A_250] {strides = array<i32>} : memref<256x64xf32, #tpu.memory_space<vmem>>, vector<16xf32>,
      tpu.vector_store %arg8[%parallel_loop3A_249, %parallel_loop3A_250], %parallel_loop3A_140 {strides = array<i32>} : memref<256x64xf32, #tpu.memory_space<vmem>>, vector<16xf32>,
      %parallel_loop3A_252 = arith.constant 192 : i32
      %parallel_loop3A_253 = arith.cmpi slt, %parallel_loop3A_122, %parallel_loop3A_252 : i32
      %parallel_loop3A_254 = arith.extui %parallel_loop3A_253 : i1 to i32
      %parallel_loop3A_255 = arith.constant 0 : i32
      %parallel_loop3A_256 = arith.cmpi ne, %parallel_loop3A_254, %parallel_loop3A_255 : i32
      scf.if %parallel_loop3A_256 {
        %parallel_loop3A_257 = arith.constant 240 : i32
        %parallel_loop3A_258 = arith.addi %parallel_loop3A_169, %parallel_loop3A_257 : i32
        %parallel_loop3A_259 = arith.index_cast %parallel_loop3A_258 : i32 to index
        %parallel_loop3A_260 = arith.index_cast %parallel_loop3A_171 : i32 to index
        %parallel_loop3A_261 = tpu.vector_load %arg8[%parallel_loop3A_259, %parallel_loop3A_260] {strides = array<i32>} : memref<256x64xf32, #tpu.memory_space<vmem>>, vector<16xf32>,
        tpu.vector_store %arg8[%parallel_loop3A_259, %parallel_loop3A_260], %parallel_loop3A_141 {strides = array<i32>} : memref<256x64xf32, #tpu.memory_space<vmem>>, vector<16xf32>,
      } else {
      }
    } {sc.loop_unroll_factor = 4 : i64, sc.parallel_access}
    %mul3A_120 = arith.constant 256 : i32
    %mul3A_121 = arith.muli %arg0, %mul3A_120 : i32
    "tpu.region"() ({
      %run_scoped3A = tpu.sem_alloc : memref<!tpu.dma_semaphore, #tpu.memory_space<semaphore_mem>>
      %dma_start3A = arith.constant 0 : i32
      %dma_start3A_122 = tpu.memref_slice %arg4[%arg1, %mul3A_121, %dma_start3A] : memref<16x512x64xf32, #tpu.memory_space<hbm>> -> memref<1x256x64xf32, #tpu.memory_space<hbm>>
      %dma_start3A_123 = tpu.memref_squeeze %dma_start3A_122 : memref<1x256x64xf32, #tpu.memory_space<hbm>> -> memref<256x64xf32, #tpu.memory_space<hbm>>
      %dma_start3A_124 = arith.constant 0 : i32
      %dma_start3A_125 = tpu.memref_slice %arg4[%arg1, %mul3A_121, %dma_start3A_124] : memref<16x512x64xf32, #tpu.memory_space<hbm>> -> memref<1x256x64xf32, #tpu.memory_space<hbm>>
      %dma_start3A_126 = tpu.memref_squeeze %dma_start3A_125 : memref<1x256x64xf32, #tpu.memory_space<hbm>> -> memref<256x64xf32, #tpu.memory_space<hbm>>
      tpu.enqueue_dma source(%arg8 : memref<256x64xf32, #tpu.memory_space<vmem>>) target(%dma_start3A_126 : memref<256x64xf32, #tpu.memory_space<hbm>>) target_semaphore(%run_scoped3A : memref<!tpu.dma_semaphore, #tpu.memory_space<semaphore_mem>>)
      %dma_wait3A = arith.constant 0 : i32
      %dma_wait3A_127 = tpu.memref_slice %arg4[%arg1, %mul3A_121, %dma_wait3A] : memref<16x512x64xf32, #tpu.memory_space<hbm>> -> memref<1x256x64xf32, #tpu.memory_space<hbm>>
      %dma_wait3A_128 = tpu.memref_squeeze %dma_wait3A_127 : memref<1x256x64xf32, #tpu.memory_space<hbm>> -> memref<256x64xf32, #tpu.memory_space<hbm>>
      %dma_wait3A_129 = arith.constant 0 : i32
      %dma_wait3A_130 = tpu.memref_slice %arg4[%arg1, %mul3A_121, %dma_wait3A_129] : memref<16x512x64xf32, #tpu.memory_space<hbm>> -> memref<1x256x64xf32, #tpu.memory_space<hbm>>
      %dma_wait3A_131 = tpu.memref_squeeze %dma_wait3A_130 : memref<1x256x64xf32, #tpu.memory_space<hbm>> -> memref<256x64xf32, #tpu.memory_space<hbm>>
      tpu.wait_dma2 semaphore(%run_scoped3A : memref<!tpu.dma_semaphore, #tpu.memory_space<semaphore_mem>>) src(%arg8 : memref<256x64xf32, #tpu.memory_space<vmem>>) dst(%dma_wait3A_131 : memref<256x64xf32, #tpu.memory_space<hbm>>)
      tpu.yield
    }) : () -> ()
    return
  }
}

</mosaic_0001>

<sc_bundles>
// kernel: kernel.3.cloned.1.call-start
scs
__scs_entry_jumppad:
0x0: {  	(pc) =	sbr.rel $0x88, $3  }
0x1: {  	(tag) =	ssettag $0x0;
	lr =	simm.s32 $0x1  }
0x2: {  	[smem:$0x3F9F] =	sst lr;
	_ =	strace $0xD0000000  }
0x3: {  	_ = 	snop  }
0x4: {  	_ = 	snop  }
0x5: {  	_ = 	snop  }
0x6: {  	_ = 	snop  }
0x7: {  	_ = 	snop  }
__scs_overlays_trampoline_lowered:
0x8: {  	[smem:$0x3FAE] =	sst s0  }
0x9: {  	[smem:$0x3FAF] =	sst s1  }
0xa: {  	[smem:$0x3FB0] =	sst s2  }
0xb: {  	[smem:$0x3FB1] =	sst s3  }
0xc: {  	[smem:$0x3FB2] =	sst s4  }
0xd: {  	[smem:$0x3FB3] =	sst s5  }
0xe: {  	[smem:$0x3FB4] =	sst s6  }
0xf: {  	[smem:$0x3FB5] =	sst s7  }
0x10: {  	[smem:$0x3FB6] =	sst s8  }
0x11: {  	[smem:$0x3FB7] =	sst s9;
	s0 =	simm.s32 @!p0 $0x0  }
0x12: {  	s1 =	sld [smem:$0x3F9D];
	s0 =	simm.s32 @p0 $0x1  }
0x13: {  	[smem:$0x3FB8] =	sst s0;
	s0 =	simm.s32 @!p1 $0x0  }
0x14: {  	s2 =	sld [smem:$0x3F9C];
	s0 =	simm.s32 @p1 $0x1  }
0x15: {  	[smem:$0x3FB9] =	sst s0;
	s0 =	simm.s32 @!p2 $0x0  }
0x16: {  	s3 =	sld [smem:$0x3FDB];
	s0 =	simm.s32 @p2 $0x1  }
0x17: {  	s4 =	simm.s32 $0x1BF5;
	[smem:$0x3FBB] =	sst s0  }
0x18: {  	s0 =	sld [smem:$0x3F9E];
	_ =	swait.ge [sflag:s4], $0x0  }
0x19: {  	s7 =	sld [smem:$0x3F9F]  }
0x1a: {  	s8 =	sadd.s32 $0xFFFFE003, lr  }
0x1b: {  	s9 =	sadd.s32 $0xFFFFFEF7, lr;
	s5 =	simm.s32 $0xFFFFFFFF;
	p2 =	slt.u32 s8, $0xFFFFF086  }
0x1c: {  	p1 =	slt.u32 s9, $0xF7A;
	s5 =	simm.s32 @!p2 $0x0  }
0x1d: {  	s5 =	simm.s32 @p1 $0x1;
	p0 =	seq.s32 s7, s2  }
0x1e: {  	s7 =	smul.u32 @!p0 $0xF7A, s2;
	p2 =	seq.s32 @!p0 s5, $0x0  }
0x1f: {  	s9 =	smul.u32 $0xF7A, s1;
	s8 =	simm.s32 @!p0 $0x1BF5;
	p2 =	por !p2, p0  }
0x20: {  	[sflag:s8] =	ssyncset.s32 @!p0 $0xFFFFF086;
	s6 =	sadd.s32 @!p0 s3, s7;
	s7 =	simm.s32 @!p0 $0x108  }
0x21: {  	s3 =	sadd.s32 s3, s9;
	s6 =	sadd.s32 @!p0 $0x88, s6;
	s7 =	simm.s32 @p2 $0x1082  }
0x22: {  	[simem:s7], [sflag:s8] =	dma.local @!p0 [hbm:s6], $0xF7A  }
0x23: {  	s9 =	sor.u32 $0xD0000000, s2;
	s6 =	simm.s32 $0x108;
	_ =	swait.ge @!p0 [sflag:s8], $0x0  }
0x24: {  	s3 =	sadd.s32 $0x88, s3;
	s6 =	simm.s32 @!p1 $0x1082;
	[sflag:s4] =	ssyncset.s32 $0xFFFFF086  }
0x25: {  	[simem:s6], [sflag:s4] =	dma.local [hbm:s3], $0xF7A  }
0x26: {  	[smem:$0x3F9F] =	sst s1;
	(tag) =	ssettag s2;
	_ =	strace s9  }
0x27: {  	s1 =	sld [smem:$0x3FAF]  }
0x28: {  	s2 =	sld [smem:$0x3FB0]  }
0x29: {  	s4 =	sld [smem:$0x3FB2]  }
0x2a: {  	p0 =	seq.s32 s5, $0x0;
	s5 =	sld [smem:$0x3FB3]  }
0x2b: {  	s6 =	sld [smem:$0x3FB4]  }
0x2c: {  	s7 =	sld [smem:$0x3FB5]  }
0x2d: {  	s3 =	simm.s32 $0x108;
	s8 =	sld [smem:$0x3FB6]  }
0x2e: {  	s3 =	simm.s32 @!p0 $0x1082;
	s9 =	sld [smem:$0x3FB7]  }
0x2f: {  	lr =	sadd.s32 s0, s3;
	s0 =	sld [smem:$0x3FAE]  }
0x30: {  	s3 =	sld [smem:$0x3FB1]  }
0x31: {  	[smem:$0x3FBA] =	sst s10  }
0x32: {  	s10 =	sld [smem:$0x3FB8];
	_ =	sdelay $0x3  }
0x33: {  	p0 =	seq.s32 s10, $0x1;
	s10 =	sld [smem:$0x3FBA];
	_ =	sdelay $0x3  }
0x34: {  	[smem:$0x3FBA] =	sst s10  }
0x35: {  	s10 =	sld [smem:$0x3FB9];
	_ =	sdelay $0x3  }
0x36: {  	p1 =	seq.s32 s10, $0x1;
	s10 =	sld [smem:$0x3FBA];
	_ =	sdelay $0x3  }
0x37: {  	[smem:$0x3FBA] =	sst s10  }
0x38: {  	s10 =	sld [smem:$0x3FBB]  }
0x39: {  	_ = 	snop;
	(pc) =	sbr.ind lr, $3  }
0x3a: {  	_ = 	snop  }
0x3b: {  	_ = 	snop  }
0x3c: {  	p2 =	seq.s32 s10, $0x1;
	s10 =	sld [smem:$0x3FBA]  }
0x3d: {  	_ =	shalt  }
0x3e: {  	_ =	shalt  }
0x3f: {  	_ =	shalt  }
0x40: {  	_ =	shalt  }
0x41: {  	_ =	shalt  }
0x42: {  	_ =	shalt  }
0x43: {  	_ =	shalt  }
0x44: {  	_ =	shalt  }
0x45: {  	_ =	shalt  }
0x46: {  	_ =	shalt  }
0x47: {  	_ =	shalt  }
0x48: {  	_ =	shalt  }
0x49: {  	_ =	shalt  }
0x4a: {  	_ =	shalt  }
0x4b: {  	_ =	shalt  }
0x4c: {  	_ =	shalt  }
0x4d: {  	_ =	shalt  }
0x4e: {  	_ =	shalt  }
0x4f: {  	_ =	shalt  }
0x50: {  	_ =	shalt  }
0x51: {  	_ =	shalt  }
0x52: {  	_ =	shalt  }
0x53: {  	_ =	shalt  }
0x54: {  	_ =	shalt  }
0x55: {  	_ =	shalt  }
0x56: {  	_ =	shalt  }
0x57: {  	_ =	shalt  }
0x58: {  	_ =	shalt  }
0x59: {  	_ =	shalt  }
0x5a: {  	_ =	shalt  }
0x5b: {  	_ =	shalt  }
0x5c: {  	_ =	shalt  }
0x5d: {  	_ =	shalt  }
0x5e: {  	_ =	shalt  }
0x5f: {  	_ =	shalt  }
0x60: {  	_ =	shalt  }
0x61: {  	_ =	shalt  }
0x62: {  	_ =	shalt  }
0x63: {  	_ =	shalt  }
0x64: {  	_ =	shalt  }
0x65: {  	_ =	shalt  }
0x66: {  	_ =	shalt  }
0x67: {  	_ =	shalt  }
0x68: {  	_ =	shalt  }
0x69: {  	_ =	shalt  }
0x6a: {  	_ =	shalt  }
0x6b: {  	_ =	shalt  }
0x6c: {  	_ =	shalt  }
0x6d: {  	_ =	shalt  }
0x6e: {  	_ =	shalt  }
0x6f: {  	_ =	shalt  }
0x70: {  	_ =	shalt  }
0x71: {  	_ =	shalt  }
0x72: {  	_ =	shalt  }
0x73: {  	_ =	shalt  }
0x74: {  	_ =	shalt  }
0x75: {  	_ =	shalt  }
0x76: {  	_ =	shalt  }
0x77: {  	_ =	shalt  }
0x78: {  	_ =	shalt  }
0x79: {  	_ =	shalt  }
0x7a: {  	_ =	shalt  }
0x7b: {  	_ =	shalt  }
0x7c: {  	_ =	shalt  }
0x7d: {  	_ =	shalt  }
0x7e: {  	_ =	shalt  }
0x7f: {  	_ =	shalt  }
0x80: {  	_ =	shalt  }
0x81: {  	_ =	shalt  }
0x82: {  	_ =	shalt  }
0x83: {  	_ =	shalt  }
0x84: {  	_ =	shalt  }
0x85: {  	_ =	shalt  }
0x86: {  	_ =	shalt  }
0x87: {  	_ =	shalt  }
.Lfunc_end0:
.L_simem_size_0:
called_computation_lowered:
.L_overlay_start_0:
0x88: {  	s2 =	sld [smem:$0x3FD9]  }
0x89: {  	s3 =	sld [smem:$0x3FFE];
	_ =	sdelay $0x1  }
0x8a: {  	s1 =	srdreg.scid  }
0x8b: {  	s0 =	sand.u32 $0x1, s1  }
0x8c: {  	s14 =	sshll.u32 s0, $0xA;
	s2 =	sadd.s32 s3, s2  }
0x8d: {  	s2 =	sadd.s32 s2, s14  }
0x8e: {  	[smem:$0x3FC6] =	sst s2  }
0x8f: {  	_ = 	snop  }
0x90: {  	s2 =	sld [smem:$0x3FD0];
	_ =	sdelay $0x2  }
0x91: {  	s4 =	simm.s32 $0xA;
	s5 =	simm.s32 $0x10;
	s15 =	sld [smem:$0x3FC9]  }
0x92: {  	[smem:s5], [sflag:s4] =	dma.local [hbm:s2], $0x1  }
0x93: {  	_ =	swait.eq [sflag:s4], $0x1  }
0x94: {  	[sflag:s4] =	ssyncset.done $0x0  }
0x95: {  	[sflag:s4] =	ssyncadd.s32 $0xFFFFFFFF  }
0x96: {  	s16 =	sld [smem:$0x11];
	(tm) =	ssettm $0x1  }
0x97: {  	s17 =	sld [smem:$0x3FFB];
	_ =	sdelay $0x3  }
0x98: {  	_ =	strace s17  }
0x99: {  	s4 =	sld [smem:$0x3FFC];
	_ =	sdelay $0x3  }
0x9a: {  	_ =	strace s4  }
0x9b: {  	s4 =	sld [smem:$0x3FFD];
	_ =	sdelay $0x3  }
0x9c: {  	_ =	strace s4  }
0x9d: {  	_ =	strace $0x8FFFFFFF  }
0x9e: {  	s18 =	sld [smem:$0x3FDB];
	_ =	sdelay $0x1  }
0x9f: {  	s19 =	simm.s32 $_scs_section_size  }
0xa0: {  	s6 =	simm.s32 $_size__tile_overlayer_lowered;
	s7 =	simm.s32 $_tile_overlayer_lowered  }
0xa1: {  	s22 =	simm.s32 $0x1BFF;
	s21 =	sshll.u32 s7, $0x1;
	s4 =	sadd.s32 s19, s18  }
0xa2: {  	s8 =	simm.s32 $0x0;
	s20 =	sshll.u32 s6, $0x1;
	s6 =	sadd.s32 s21, s4  }
0xa3: {  	[timem:s8], [sflag:s22] =	dma.local [hbm:s6], s20  }
0xa4: {  	_ =	swait.ge [sflag:s22], s20  }
0xa5: {  	s5 =	ssub.s32 $0x0, s20;
	[sflag:s22] =	ssyncset.done $0x0  }
0xa6: {  	[sflag:s22] =	ssyncadd.s32 s5;
	_ =	sdelay $0x1  }
0xa7: {  	s23 =	simm.s32 $0x1B8B  }
0xa8: {  	_ =	swait.ge [sflag:s23], $0x1  }
0xa9: {  	[sflag:s23] =	ssyncset.done $0x0  }
0xaa: {  	s25 =	simm.s32 $0x1B8E;
	s24 =	sld [smem:$0x3FFE];
	[sflag:s23] =	ssyncadd.s32 $0xFFFFFFFF  }
0xab: {  	s26 =	simm.s32 $execute0_lowered;
	[smem:$0x3FD2] =	sst s25  }
0xac: {  	s6 =	sshll.u32 s26, $0x1;
	_ =	strace $0x80000046;
	[dreg:$0x1] =	wrdreg $0xFFFFFFFF  }
0xad: {  	s28 =	simm.s32 $_size_execute0_lowered;
	s4 =	sadd.s32 s4, s6;
	[dreg:$0x0] =	wrdreg $0x0  }
0xae: {  	s6 =	sshll.u32 s28, $0x1;
	[dreg:$0x2] =	wrdreg s4  }
0xaf: {  	[dreg:$0x3] =	wrdreg s6  }
0xb0: {  	[dreg:$0x4] =	wrdreg $0xC0  }
0xb1: {  	_ =	task [dreg:s8], $0x5FFFF  }
0xb2: {  	[dreg:$0x1] =	wrdreg $0xFFFFFFFF  }
0xb3: {  	[dreg:$0x0] =	wrdreg $0x60  }
0xb4: {  	[dreg:$0x2] =	wrdreg s15  }
0xb5: {  	[dreg:$0x3] =	wrdreg s16  }
0xb6: {  	[dreg:$0x4] =	wrdreg s24  }
0xb7: {  	[dreg:$0x5] =	wrdreg $0x0  }
0xb8: {  	[dreg:$0x6] =	wrdreg $0x9  }
0xb9: {  	_ =	task.clear_ibuf [dreg:s8], $0x7FFFF;
	_ =	strace $0x90000046  }
0xba: {  	s29 =	simm.s32 $0x9;
	_ =	strace $0x80000048  }
0xbb: {  	_ =	swait.ge [sflag:s29], $0x1  }
0xbc: {  	[sflag:s29] =	ssyncadd.s32 $0xFFFFFFFF  }
0xbd: {  	_ =	strace $0x90000048  }
0xbe: {  	_ =	sfence  }
0xbf: {  	s30 =	sld [smem:$0x0];
	_ =	sdelay $0x2  }
0xc0: {  	s31 =	sshll.u32 s1, $0xD;
	s1 =	sshrl.u32 s1, $0x2  }
0xc1: {  	s3 =	sand.u32 $0x4000, s31;
	s1 =	sadd.s32 s1, s30  }
0xc2: {  	s0 =	sor.u32 s3, s0;
	s1 =	sshll.u32 s1, $0x11  }
0xc3: {  	s0 =	sor.u32 s1, s0  }
0xc4: {  	s0 =	sadd.s32 $0x8F2B, s0  }
0xc5: {  	[sflag:s0] =	ssyncadd.remote.s32 $0x1  }
0xc6: {  	_ =	sfence.sel $0xFFFF  }
0xc7: {  	[dreg:$0x0] =	wrdreg $0xFFFFFFFF;
	(pc) =	sbr.abs _section_cstart, $3  }
0xc8: {  	[dreg:$0x1] =	wrdreg $0xFFFFFFFF  }
0xc9: {  	_ =	task.clear_ibuf [dreg:s8], $0x2FFFF;
	_ =	strace $0x9FFFFFFF  }
0xca: {  	(tm) =	ssettm $0x7FFFFFFF  }
0xcb: {  	_ =	shalt  }
tec
execute0_lowered:
.L_overlay_start_1:
0x0: {  	(tag) =	ssettag $0x1  }
0x1: {  	s3 =	rddreg [dreg:$0x0]  }
0x2: {  	s2 =	rddreg [dreg:$0x1]  }
0x3: {  	s4 =	rddreg [dreg:$0x2]  }
0x4: {  	s9 =	rddreg [dreg:$0x3]  }
0x5: {  	s0 =	rddreg [dreg:$0x4]  }
0x6: {  	s1 =	simm.s32 $0x0;
	s5 =	srdreg.scid;
	s8 =	stileid.u32  }
0x7: {  	s11 =	simm.s32 $0x6E00;
	s12 =	simm.s32 $0x0;
	[smem:$0x7FF] =	sst s1  }
0x8: {  	s5 =	sand.u32 $0x1, s5;
	s29 =	sshll.u32 s8, $0x7;
	s31 =	sshll.u32 s8, $0xD  }
0x9: {  	s3 =	sadd.s32 $0x3C00, s3;
	p0 =	sne.s32 s8, $0x0;
	s8 =	simm.s32 $0x1  }
0xa: {  	_ =	strace $0x80000047;
	s6 =	ssub.s32 $0x2, s5;
	s7 =	sshll.u32 s5, $0xC  }
0xb: {  	s2 =	sadd.s32 s2, s29;
	s30 =	sshll.u32 s5, $0xE;
	s10 =	sshrl.u32 s6, $0x1  }
0xc: {  	s7 =	sadd.s32 s7, s4;
	s4 =	sadd.s32 s30, s9;
	s9 =	sshrl.u32 @!p0 s9, $0x3  }
0xd: {  	s6 =	ssub.s32 s6, s10;
	s5 =	sadd.s32 s31, s7;
	s7 =	simm.s32 $0x6A00  }
0xe: {  	s10 =	simm.s32 $0xA00;
	s5 =	sadd.s32 $0x800, s5;
	s6 =	smax.u32 s6, $0x1  }
.LBB2_1:
0xf: {  	[tilespmem:s7], [sflag:$0x1] =	stream.linear.gather [hbm4b:s2+s1], $0x400, $0x38;
	[tilespmem:$0xEE00] =	vst v63  }
0x10: {  	_ =	swait.ge [sflag:s8], $0x400  }
0x11: {  	[sflag:s8] =	ssyncset.done $0x0  }
0x12: {  	s13 =	simm.s32 @!p0 $0x1C01;
	[sflag:s8] =	ssyncadd.s32 $0xFFFFFC00  }
0x13: {  	[spmem:s9], [sflag:s13] =	dma.local @!p0 [hbm:s3], $0x1400  }
0x14: {  	s13 =	simm.s32 @!p0 $0x1  }
0x15: {  	_ =	swait.ge @!p0 [sflag:s13], $0x1400  }
0x16: {  	[sflag:s13] =	ssyncset.done @!p0 $0x0  }
0x17: {  	[sflag:s13] =	ssyncadd.s32 @!p0 $0xFFFFEC00  }
0x18: {  	[bflag:$0x0] =	sbarrier.arrive $0xFFFF  }
0x19: {  	[tilespmem:s10], [sflag:$0x1] =	stream.linear.gather [spmem:s4], $0x6000, $0x38;
	[tilespmem:$0xEE00] =	vst v63  }
0x1a: {  	_ =	swait.ge [sflag:s8], $0x6000  }
0x1b: {  	s14 =	simm.s32 $0x6A20;
	[sflag:s8] =	ssyncset.done $0x0  }
0x1c: {  	s15 =	simm.s32 $0x0;
	s13 =	simm.s32 $0x6C80;
	[sflag:s8] =	ssyncadd.s32 $0xFFFFA000  }
.LBB2_2:
0x1d: {  	v0 =	vld [tilespmem:s14+$0xFFFFFFE0];
	_ =	sdelay $0x4  }
0x1e: {  	v1 =	vshll.u32 v0, $0x3  }
0x1f: {  	v0 =	vand.u32 $0x7F, v0;
	v1 =	vand.u32 $0xFFFFFC00, v1  }
0x20: {  	v0 =	vor.u32 v0, v1  }
0x21: {  	v1 =	vor.u32 $0x380, v0  }
0x22: {  	v2 =	vadd.s32 $0x2000, v0  }
0x23: {  	v3 =	vadd.s32 $0x2080, v0  }
0x24: {  	v11 =	vld [tilespmem:s14+$0xFFFFFFF0];
	v4 =	vadd.s32 $0x2100, v0  }
0x25: {  	v24 =	vld [tilespmem:s14+$0x0];
	v5 =	vadd.s32 $0x2180, v0  }
0x26: {  	v6 =	vadd.s32 $0x2200, v0;
	v1 =	vld.idx.msk [tilespmem:v1+s10+$0x0], $0xffff  }
0x27: {  	v7 =	vadd.s32 $0x2280, v0;
	v2 =	vld.idx.msk [tilespmem:v2+s10+$0x0], $0xffff  }
0x28: {  	v8 =	vadd.s32 $0x2300, v0;
	v3 =	vld.idx.msk [tilespmem:v3+s10+$0x0], $0xffff  }
0x29: {  	v9 =	vadd.s32 $0x2380, v0;
	v4 =	vld.idx.msk [tilespmem:v4+s10+$0x0], $0xffff  }
0x2a: {  	v10 =	vadd.s32 $0x4000, v0;
	v5 =	vld.idx.msk [tilespmem:v5+s10+$0x0], $0xffff  }
0x2b: {  	v12 =	vadd.s32 $0x4080, v0;
	v6 =	vld.idx.msk [tilespmem:v6+s10+$0x0], $0xffff  }
0x2c: {  	v13 =	vadd.s32 $0x4100, v0;
	v7 =	vld.idx.msk [tilespmem:v7+s10+$0x0], $0xffff  }
0x2d: {  	v14 =	vadd.s32 $0x4180, v0;
	v8 =	vld.idx.msk [tilespmem:v8+s10+$0x0], $0xffff  }
0x2e: {  	v15 =	vadd.s32 $0x4200, v0;
	v9 =	vld.idx.msk [tilespmem:v9+s10+$0x0], $0xffff  }
0x2f: {  	v17 =	vshll.u32 v11, $0x3;
	v16 =	vadd.s32 $0x4280, v0;
	v10 =	vld.idx.msk [tilespmem:v10+s10+$0x0], $0xffff  }
0x30: {  	v11 =	vand.u32 $0x7F, v11;
	v17 =	vand.u32 $0xFFFFFC00, v17;
	v18 =	vadd.s32 $0x4300, v0;
	v12 =	vld.idx.msk [tilespmem:v12+s10+$0x0], $0xffff  }
0x31: {  	v11 =	vor.u32 v11, v17;
	v0 =	vadd.s32 $0x4380, v0;
	v13 =	vld.idx.msk [tilespmem:v13+s10+$0x0], $0xffff  }
0x32: {  	v17 =	vor.u32 $0x380, v11;
	v14 =	vld.idx.msk [tilespmem:v14+s10+$0x0], $0xffff  }
0x33: {  	v19 =	vadd.s32 $0x2000, v11;
	v15 =	vld.idx.msk [tilespmem:v15+s10+$0x0], $0xffff  }
0x34: {  	v20 =	vadd.s32 $0x2080, v11;
	v16 =	vld.idx.msk [tilespmem:v16+s10+$0x0], $0xffff  }
0x35: {  	v21 =	vadd.s32 $0x2100, v11;
	v18 =	vld.idx.msk [tilespmem:v18+s10+$0x0], $0xffff  }
0x36: {  	p1 =	slt.u32 s15, $0xC0;
	v22 =	vadd.s32 $0x2180, v11;
	v0 =	vld.idx.msk [tilespmem:v0+s10+$0x0], $0xffff  }
0x37: {  	v23 =	vadd.s32 $0x2200, v11;
	v17 =	vld.idx.msk [tilespmem:v17+s10+$0x0], $0xffff;
	[tilespmem:s13+$0x0] =	vst @!p1 v1  }
0x38: {  	v55 =	vadd.s32 $0x2280, v11;
	v19 =	vld.idx.msk [tilespmem:v19+s10+$0x0], $0xffff;
	[tilespmem:s13+$0x800] =	vst v2  }
0x39: {  	v57 =	vadd.s32 $0x2300, v11;
	v54 =	vld.idx.msk [tilespmem:v20+s10+$0x0], $0xffff;
	[tilespmem:s13+$0x1000] =	vst v3  }
0x3a: {  	v59 =	vadd.s32 $0x2380, v11;
	v56 =	vld.idx.msk [tilespmem:v21+s10+$0x0], $0xffff;
	[tilespmem:s13+$0x1800] =	vst v4  }
0x3b: {  	v62 =	vadd.s32 $0x4080, v11;
	v58 =	vld.idx.msk [tilespmem:v22+s10+$0x0], $0xffff;
	[tilespmem:s13+$0x2000] =	vst v5  }
0x3c: {  	v28 =	vadd.s32 $0x4100, v11;
	v61 =	vld.idx.msk [tilespmem:v23+s10+$0x0], $0xffff;
	[tilespmem:s13+$0x2800] =	vst v6  }
0x3d: {  	v25 =	vshll.u32 v24, $0x3;
	v30 =	vadd.s32 $0x4180, v11;
	v63 =	vld.idx.msk [tilespmem:v55+s10+$0x0], $0xffff;
	[tilespmem:s13+$0x3000] =	vst v7  }
0x3e: {  	v24 =	vand.u32 $0x7F, v24;
	v25 =	vand.u32 $0xFFFFFC00, v25;
	v32 =	vadd.s32 $0x4200, v11;
	v29 =	vld.idx.msk [tilespmem:v57+s10+$0x0], $0xffff;
	[tilespmem:s13+$0x3800] =	vst v8  }
0x3f: {  	v37 =	vor.u32 v24, v25;
	v35 =	vadd.s32 $0x4300, v11;
	v31 =	vld.idx.msk [tilespmem:v59+s10+$0x0], $0xffff;
	[tilespmem:s13+$0x4000] =	vst v9  }
0x40: {  	v60 =	vadd.s32 $0x4000, v11;
	v33 =	vadd.s32 $0x4280, v11;
	v11 =	vadd.s32 $0x4380, v11;
	v34 =	vld.idx.msk [tilespmem:v62+s10+$0x0], $0xffff;
	[tilespmem:s13+$0x4800] =	vst v10  }
0x41: {  	v41 =	vadd.s32 $0x2000, v37;
	v36 =	vld.idx.msk [tilespmem:v28+s10+$0x0], $0xffff;
	[tilespmem:s13+$0x5000] =	vst v12  }
0x42: {  	v38 =	vld.idx.msk [tilespmem:v30+s10+$0x0], $0xffff;
	[tilespmem:s13+$0x5800] =	vst v13  }
0x43: {  	v40 =	vld.idx.msk [tilespmem:v32+s10+$0x0], $0xffff;
	[tilespmem:s13+$0x6000] =	vst v14  }
0x44: {  	v44 =	vadd.s32 $0x2100, v37;
	v43 =	vld.idx.msk [tilespmem:v35+s10+$0x0], $0xffff;
	[tilespmem:s13+$0x6800] =	vst v15  }
0x45: {  	v45 =	vadd.s32 $0x2180, v37;
	v11 =	vld.idx.msk [tilespmem:v11+s10+$0x0], $0xffff;
	[tilespmem:s13+$0x7000] =	vst v16  }
0x46: {  	p2 =	sgt.u32 s15, $0xBF;
	v47 =	vadd.s32 $0x2200, v37;
	v46 =	vld.idx.msk [tilespmem:v41+s10+$0x0], $0xffff;
	[tilespmem:s13+$0x7800] =	vst v18  }
0x47: {  	v48 =	vadd.s32 $0x2280, v37;
	v4 =	vld.idx.msk [tilespmem:v60+s10+$0x0], $0xffff;
	[tilespmem:s13+$0x8000] =	vst @!p2 v0  }
0x48: {  	v9 =	vld.idx.msk [tilespmem:v33+s10+$0x0], $0xffff;
	[tilespmem:s13+$0x10] =	vst @!p1 v17  }
0x49: {  	v50 =	vadd.s32 $0x2300, v37;
	v49 =	vld.idx.msk [tilespmem:v44+s10+$0x0], $0xffff;
	[tilespmem:s13+$0x810] =	vst v19  }
0x4a: {  	v39 =	vor.u32 $0x380, v37;
	v51 =	vld.idx.msk [tilespmem:v45+s10+$0x0], $0xffff;
	[tilespmem:s13+$0x1010] =	vst v54  }
0x4b: {  	v42 =	vadd.s32 $0x2080, v37;
	v55 =	vld.idx.msk [tilespmem:v47+s10+$0x0], $0xffff;
	[tilespmem:s13+$0x1810] =	vst v56  }
0x4c: {  	v52 =	vadd.s32 $0x2380, v37;
	v57 =	vld.idx.msk [tilespmem:v48+s10+$0x0], $0xffff;
	[tilespmem:s13+$0x2010] =	vst v58  }
0x4d: {  	v53 =	vadd.s32 $0x4000, v37;
	v54 =	vld [tilespmem:s14+$0x10];
	[tilespmem:s13+$0x2810] =	vst v61  }
0x4e: {  	v59 =	vld.idx.msk [tilespmem:v50+s10+$0x0], $0xffff;
	v62 =	vadd.s32 $0x4200, v37;
	[tilespmem:s13+$0x3010] =	vst v63  }
0x4f: {  	v30 =	vadd.s32 $0x4300, v37;
	v0 =	vld.idx.msk [tilespmem:v39+s10+$0x0], $0xffff;
	[tilespmem:s13+$0x3810] =	vst v29  }
0x50: {  	v20 =	vadd.s32 $0x4380, v37;
	v15 =	vld.idx.msk [tilespmem:v42+s10+$0x0], $0xffff;
	[tilespmem:s13+$0x4010] =	vst v31  }
0x51: {  	v56 =	vadd.s32 $0x4080, v37;
	v61 =	vld.idx.msk [tilespmem:v52+s10+$0x0], $0xffff;
	[tilespmem:s13+$0x5010] =	vst v34  }
0x52: {  	v58 =	vadd.s32 $0x4100, v37;
	v3 =	vld.idx.msk [tilespmem:v53+s10+$0x0], $0xffff;
	[tilespmem:s13+$0x5810] =	vst v36;
	v28 =	vshll.u32 v54, $0x3  }
0x53: {  	v60 =	vadd.s32 $0x4180, v37;
	[tilespmem:s13+$0x6010] =	vst v38;
	v34 =	vld.idx.msk [tilespmem:v62+s10+$0x0], $0xffff;
	v23 =	vand.u32 $0x7F, v54;
	v24 =	vand.u32 $0xFFFFFC00, v28  }
0x54: {  	v63 =	vadd.s32 $0x4280, v37;
	[tilespmem:s13+$0x6810] =	vst v40;
	v37 =	vld.idx.msk [tilespmem:v30+s10+$0x0], $0xffff;
	v31 =	vor.u32 v23, v24  }
0x55: {  	[tilespmem:s13+$0x8010] =	vst @!p2 v11;
	v11 =	vld.idx.msk [tilespmem:v20+s10+$0x0], $0xffff;
	v33 =	vor.u32 $0x380, v31  }
0x56: {  	[tilespmem:s13+$0x7810] =	vst v43;
	v29 =	vld.idx.msk [tilespmem:v56+s10+$0x0], $0xffff;
	v35 =	vadd.s32 $0x2000, v31  }
0x57: {  	[tilespmem:s13+$0x4810] =	vst v4;
	v19 =	vld.idx.msk [tilespmem:v58+s10+$0x0], $0xffff;
	v36 =	vadd.s32 $0x2080, v31  }
0x58: {  	v32 =	vld.idx.msk [tilespmem:v60+s10+$0x0], $0xffff;
	[tilespmem:s13+$0x7010] =	vst v9;
	v38 =	vadd.s32 $0x2100, v31  }
0x59: {  	v4 =	vld.idx.msk [tilespmem:v63+s10+$0x0], $0xffff;
	[tilespmem:s13+$0x20] =	vst @!p1 v0;
	v39 =	vadd.s32 $0x2180, v31  }
0x5a: {  	[tilespmem:s13+$0x820] =	vst v46;
	v40 =	vadd.s32 $0x2200, v31;
	v0 =	vld.idx.msk [tilespmem:v33+s10+$0x0], $0xffff  }
0x5b: {  	[tilespmem:s13+$0x1020] =	vst v15;
	v42 =	vadd.s32 $0x2280, v31;
	v41 =	vld.idx.msk [tilespmem:v35+s10+$0x0], $0xffff  }
0x5c: {  	[tilespmem:s13+$0x1820] =	vst v49;
	v43 =	vadd.s32 $0x2300, v31;
	v9 =	vld.idx.msk [tilespmem:v36+s10+$0x0], $0xffff  }
0x5d: {  	[tilespmem:s13+$0x2020] =	vst v51;
	v45 =	vadd.s32 $0x2380, v31;
	v44 =	vld.idx.msk [tilespmem:v38+s10+$0x0], $0xffff  }
0x5e: {  	[tilespmem:s13+$0x2820] =	vst v55;
	v47 =	vadd.s32 $0x4000, v31;
	v46 =	vld.idx.msk [tilespmem:v39+s10+$0x0], $0xffff  }
0x5f: {  	[tilespmem:s13+$0x3020] =	vst v57;
	v49 =	vadd.s32 $0x4080, v31;
	v48 =	vld.idx.msk [tilespmem:v40+s10+$0x0], $0xffff  }
0x60: {  	[tilespmem:s13+$0x3820] =	vst v59;
	v51 =	vadd.s32 $0x4100, v31;
	v50 =	vld.idx.msk [tilespmem:v42+s10+$0x0], $0xffff  }
0x61: {  	[tilespmem:s13+$0x4020] =	vst v61;
	v53 =	vadd.s32 $0x4180, v31;
	v52 =	vld.idx.msk [tilespmem:v43+s10+$0x0], $0xffff  }
0x62: {  	[tilespmem:s13+$0x4820] =	vst v3;
	v55 =	vadd.s32 $0x4200, v31;
	v54 =	vld.idx.msk [tilespmem:v45+s10+$0x0], $0xffff  }
0x63: {  	[tilespmem:s13+$0x6820] =	vst v34;
	v57 =	vadd.s32 $0x4280, v31;
	v56 =	vld.idx.msk [tilespmem:v47+s10+$0x0], $0xffff  }
0x64: {  	[tilespmem:s13+$0x7820] =	vst v37;
	v59 =	vadd.s32 $0x4300, v31;
	v58 =	vld.idx.msk [tilespmem:v49+s10+$0x0], $0xffff  }
0x65: {  	[tilespmem:s13+$0x8020] =	vst @!p2 v11;
	v12 =	vadd.s32 $0x4380, v31;
	v18 =	vld.idx.msk [tilespmem:v51+s10+$0x0], $0xffff  }
0x66: {  	[tilespmem:s13+$0x5020] =	vst v29;
	v60 =	vld.idx.msk [tilespmem:v53+s10+$0x0], $0xffff  }
0x67: {  	[tilespmem:s13+$0x5820] =	vst v19;
	v61 =	vld.idx.msk [tilespmem:v55+s10+$0x0], $0xffff  }
0x68: {  	[tilespmem:s13+$0x6020] =	vst v32;
	v62 =	vld.idx.msk [tilespmem:v57+s10+$0x0], $0xffff  }
0x69: {  	[tilespmem:s13+$0x7020] =	vst v4;
	v63 =	vld.idx.msk [tilespmem:v59+s10+$0x0], $0xffff  }
0x6a: {  	v11 =	vld.idx.msk [tilespmem:v12+s10+$0x0], $0xffff;
	[tilespmem:s13+$0x30] =	vst @!p1 v0  }
0x6b: {  	[tilespmem:s13+$0x830] =	vst v41  }
0x6c: {  	[tilespmem:s13+$0x1030] =	vst v9  }
0x6d: {  	[tilespmem:s13+$0x1830] =	vst v44  }
0x6e: {  	[tilespmem:s13+$0x2030] =	vst v46  }
0x6f: {  	[tilespmem:s13+$0x2830] =	vst v48  }
0x70: {  	[tilespmem:s13+$0x3030] =	vst v50  }
0x71: {  	[tilespmem:s13+$0x3830] =	vst v52  }
0x72: {  	[tilespmem:s13+$0x4030] =	vst v54  }
0x73: {  	[tilespmem:s13+$0x4830] =	vst v56  }
0x74: {  	[tilespmem:s13+$0x5030] =	vst v58  }
0x75: {  	[tilespmem:s13+$0x5830] =	vst v18;
	p1 =	slt.u32 s15, $0x3C0  }
.Ltmp0:
0x76: {  	[tilespmem:s13+$0x6030] =	vst v60;
	(pc) =	sbr.rel @p1 .LBB2_2-.Ltmp0, $4  }
0x77: {  	[tilespmem:s13+$0x6830] =	vst v61  }
0x78: {  	[tilespmem:s13+$0x7030] =	vst v62  }
0x79: {  	s16 =	sadd.s32 $0x40, s15;
	[tilespmem:s13+$0x7830] =	vst v63  }
0x7a: {  	s14 =	sadd.s32 $0x40, s14;
	[tilespmem:s13+$0x8030] =	vst @!p2 v11;
	s13 =	sadd.s32 $0x80, s13;
	s15 =	smov.u32 s16  }
0x7b: {  	s12 =	sadd.s32 $0x1, s12  }
0x7c: {  	p1 =	sne.s32 s12, s6  }
.Ltmp1:
0x7d: {  	_ = 	snop;
	(pc) =	sbr.rel @p1 .LBB2_1-.Ltmp1, $4  }
0x7e: {  	[hbm4b:s5+s1] =	stream.linear.scatter [tilespmem:s11], [sflag:$0x1], $0x8000, $0x38;
	[tilespmem:$0xEE00] =	vst v63  }
0x7f: {  	_ =	swait.ge [sflag:s8], $0x8000  }
0x80: {  	[sflag:s8] =	ssyncset.done $0x0  }
0x81: {  	[sflag:s8] =	ssyncadd.s32 $0xFFFF8000  }
0x82: {  	_ =	sfence.sel $0x180000  }
0x83: {  	[bflag:$0x0] =	sbarrier.arrive $0xFFFF  }
0x84: {  	_ =	strace $0x90000047  }
0x85: {  	s0 =	sadd.s32 @!p0 $0x100000, s0;
	[bflag:$0x2] =	sbarrier.arrive $0xFFFF  }
0x86: {  	[sflag:s0] =	ssyncadd.tile.s32 @!p0 $0x1;
	_ =	shalt  }
.Lfunc_end2:
_tile_overlayer_lowered:
.L_overlay_start_2:
0x87: {  	(tag) =	ssettag $0x2  }
0x88: {  	s0 =	rddreg [dreg:$0x0];
	s2 =	stileid.u32  }
0x89: {  	s1 =	rddreg [dreg:$0x1];
	p0 =	sne.s32 s2, $0x0  }
0x8a: {  	s3 =	rddreg [dreg:$0x2];
	[bflag:$0x3] =	sbarrier.arrive $0xFFFF;
	s2 =	simm.s32 @!p0 $0x1C01  }
0x8b: {  	[timem:s3], [sflag:s2] =	dma.local @!p0 [hbm:s0], s1  }
0x8c: {  	s0 =	simm.s32 @!p0 $0x1  }
0x8d: {  	_ =	swait.ge @!p0 [sflag:s0], s1  }
0x8e: {  	s1 =	ssub.s32 @!p0 $0x0, s1;
	[sflag:s0] =	ssyncset.done @!p0 $0x0  }
0x8f: {  	[sflag:s0] =	ssyncadd.s32 @!p0 s1  }
0x90: {  	[bflag:$0x3] =	sbarrier.arrive $0xFFFF  }
0x91: {  	_ =	shalt  }

</sc_bundles>
